<compile_context>
chip_gen: v7x
topology: tpu7x:2x2x1
jax: 0.10.2.dev20260603
libtpu: 0.0.44.dev20260713+nightly
codegen_flags: <defaults>
</compile_context>

<pallas_src>
import functools

import jax
import jax.numpy as jnp
from jax import lax
from jax.experimental import pallas as pl
from jax.experimental.pallas import tpu as pltpu
from jax.experimental.pallas import tpu_sc as plsc

_SCALE = 30.0
_LOG2E = 1.4426950408889634
_LN2 = 0.6931471805599453
_BC = 1024


def _ce_body(tot_cols, x_ref, w_ref, v_ref, out_ref, m_ref, s_ref, xb_ref):
    j = pl.program_id(0)
    ncb = pl.num_programs(0)

    @pl.when(j == 0)
    def _init():
        m_ref[...] = jnp.full(m_ref.shape, -jnp.inf, m_ref.dtype)
        s_ref[...] = jnp.zeros(s_ref.shape, s_ref.dtype)
        xb_ref[...] = x_ref[...].astype(jnp.bfloat16)

    z = lax.dot_general(w_ref[...], xb_ref[...], (((1,), (1,)), ((), ())),
                        preferred_element_type=jnp.float32
                        ).astype(jnp.bfloat16)

    def _update(zz):
        m_old = m_ref[...]
        bm = jnp.max(zz, axis=0, keepdims=True).astype(jnp.float32)
        m_new = jnp.maximum(m_old, bm)
        e = jnp.exp2(zz - m_new.astype(jnp.bfloat16))
        ones = jnp.ones((1, e.shape[0]), jnp.bfloat16)
        es = lax.dot_general(ones, e, (((1,), (0,)), ((), ())),
                             preferred_element_type=jnp.float32)
        s_ref[...] = s_ref[...] * jnp.exp2(m_old - m_new) + es
        m_ref[...] = m_new

    @pl.when(j < ncb - 1)
    def _interior():
        _update(z)

    @pl.when(j == ncb - 1)
    def _fin():
        lim = tot_cols - (ncb - 1) * _BC
        row = lax.broadcasted_iota(jnp.int32, z.shape, 0)
        _update(jnp.where(row < lim, z, -jnp.inf))
        lse2 = m_ref[...] + jnp.log(s_ref[...]) * _LOG2E
        out_ref[0, 0] = jnp.sum(lse2 * v_ref[...])


def _ce_call(batch, feat, tot_cols):
    ncb = pl.cdiv(tot_cols, _BC)
    return pl.pallas_call(
        functools.partial(_ce_body, tot_cols),
        grid=(ncb,),
        in_specs=[
            pl.BlockSpec((batch, feat), lambda j: (0, 0)),
            pl.BlockSpec((_BC, feat), lambda j: (j, 0)),
            pl.BlockSpec((1, batch), lambda j: (0, 0)),
        ],
        out_specs=pl.BlockSpec((1, 1), lambda j: (0, 0),
                               memory_space=pltpu.SMEM),
        out_shape=jax.ShapeDtypeStruct((1, 1), jnp.float32),
        scratch_shapes=[
            pltpu.VMEM((1, batch), jnp.float32),
            pltpu.VMEM((1, batch), jnp.float32),
            pltpu.VMEM((batch, feat), jnp.bfloat16),
        ],
    )


def _fin_body(x_ref, g_ref, v_ref, a_ref, out_ref):
    p = (x_ref[...] * g_ref[...]).astype(jnp.bfloat16)
    vb = v_ref[...].astype(jnp.bfloat16)
    ts = lax.dot_general(vb, p, (((1,), (0,)), ((), ())),
                         preferred_element_type=jnp.float32)
    bsum = jnp.sum(ts)
    den = jnp.maximum(jnp.sum(v_ref[...]), 1.0)
    out_ref[0, 0] = (_LN2 * a_ref[0, 0] - _SCALE * bsum) / den


def _fin_call(batch, feat):
    return pl.pallas_call(
        _fin_body,
        in_specs=[
            pl.BlockSpec((batch, feat), lambda: (0, 0)),
            pl.BlockSpec((batch, feat), lambda: (0, 0)),
            pl.BlockSpec((1, batch), lambda: (0, 0)),
            pl.BlockSpec((1, 1), lambda: (0, 0), memory_space=pltpu.SMEM),
        ],
        out_specs=pl.BlockSpec((1, 1), lambda: (0, 0),
                               memory_space=pltpu.SMEM),
        out_shape=jax.ShapeDtypeStruct((1, 1), jnp.float32),
    )


@functools.lru_cache
def _sc_gather(num_rows, feat, batch):
    info = plsc.get_sparse_core_info()
    nw = info.num_cores * info.num_subcores
    bpw = batch // nw
    mesh = plsc.VectorSubcoreMesh(core_axis_name="c", subcore_axis_name="s")

    @functools.partial(
        pl.kernel, mesh=mesh,
        out_type=jax.ShapeDtypeStruct((batch, feat), jnp.float32),
        scratch_types=[
            pltpu.VMEM((bpw,), jnp.int32),
            pltpu.VMEM((bpw, feat), jnp.float32),
            pltpu.SemaphoreType.DMA,
        ],
    )
    def gk(table_hbm, idx_hbm, out_hbm, idx_v, rows_v, sem):
        wid = lax.axis_index("s") * info.num_cores + lax.axis_index("c")
        base = wid * bpw
        pltpu.sync_copy(idx_hbm.at[pl.ds(base, bpw)], idx_v)
        pltpu.async_copy(table_hbm.at[idx_v], rows_v, sem).wait()
        pltpu.sync_copy(rows_v, out_hbm.at[pl.ds(base, bpw)])

    return gk


def kernel(inputs, roi_label, lut, cq, cq_omega):
    batch, feat = inputs.shape
    tot_cols = lut.shape[0] + cq.shape[0]

    lab = roi_label.reshape(-1).astype(jnp.int32) - 1
    validf = (lab >= 0).astype(jnp.float32).reshape(1, batch)
    safe = jnp.maximum(lab, 0)

    g = _sc_gather(lut.shape[0], feat, batch)(lut, safe)

    w = (jnp.concatenate([lut, cq], axis=0) * (_SCALE * _LOG2E)
         ).astype(jnp.bfloat16)
    a = _ce_call(batch, feat, tot_cols)(inputs, w, validf)
    out = _fin_call(batch, feat)(inputs, g, validf, a)
    return out[0, 0]

# --- scband reference (transcript-rebuilt; emitter-appended) ---
"""Pipeline reference for scband-oimloss-smr-54760833024747 (READ-ONLY COPY).

The authoritative reference and input builder live on the scoring server;
editing this copy changes nothing except your own understanding.
"""

import jax, jax.numpy as jnp
import numpy as np

NUM_FEATURES = 256
NUM_PIDS = 5532
NUM_CQ = 5000
OIM_SCALAR = 30.0
IGNORE_INDEX = 5554
BATCH = 4096


def setup_inputs(seed: int = 0) -> dict:
    key = jax.random.key(seed)
    k1, k2, k3, k4, k5 = jax.random.split(key, 5)
    inputs = jax.random.normal(k1, (BATCH, NUM_FEATURES), dtype=jnp.float32)
    roi_label = jax.random.randint(k2, (1, BATCH), 0, 5533)
    lut = jax.random.normal(k3, (NUM_PIDS, NUM_FEATURES), dtype=jnp.float32)
    lut = lut / jnp.linalg.norm(lut, axis=1, keepdims=True)
    cq = jax.random.normal(k4, (NUM_CQ, NUM_FEATURES), dtype=jnp.float32)
    cq = cq / jnp.linalg.norm(cq, axis=1, keepdims=True)
    cq_omega = jax.random.uniform(k5, (NUM_CQ,), dtype=jnp.float32)
    return {"inputs": inputs, "roi_label": roi_label, "lut": lut, "cq": cq, "cq_omega": cq_omega}


def reference(inputs, roi_label, lut, cq, cq_omega):
    # targets = torch.cat(roi_label): concatenate the rows of roi_label
    targets = jnp.concatenate([roi_label[i] for i in range(roi_label.shape[0])], axis=0)
    label = targets - 1
    inds = label >= 0
    safe_label = jnp.where(inds, label, 0)
    x = inputs
    # OIMSMR.forward: projections onto labeled LUT and unlabeled circular queue
    outputs_labeled = x @ lut.T
    outputs_unlabeled = x @ cq.T
    # omega is computed in torch forward (used only for buffer updates in backward)
    omega_x_unlabeled = jnp.max(outputs_labeled, axis=1) / jnp.max(outputs_unlabeled, axis=1)
    projected = jnp.concatenate([outputs_labeled, outputs_unlabeled], axis=1)
    projected = projected * OIM_SCALAR
    # F.cross_entropy with ignore_index=5554, mean reduction over non-ignored
    logp = jax.nn.log_softmax(projected, axis=1)
    valid = inds & (safe_label != IGNORE_INDEX)
    nll = -jnp.take_along_axis(logp, safe_label[:, None], axis=1)[:, 0]
    denom = jnp.maximum(jnp.sum(valid.astype(jnp.float32)), 1.0)
    loss_oim = jnp.sum(jnp.where(valid, nll, 0.0)) / denom
    return loss_oim

if __name__ == "__main__":
    import jax
    _d = setup_inputs()
    print(jax.jit(kernel)(*tuple(_d.values())))

</pallas_src>

<mosaic_0001>
#map = affine_map<(d0, d1) -> (0, 0)>
#map1 = affine_map<(d0, d1) -> (0)>
module attributes {stable_mosaic.version = 14 : i64} {
  func.func @gk(%arg0: i32, %arg1: i32, %arg2: memref<5532x256xf32, #tpu.memory_space<hbm>>, %arg3: memref<4096xi32, #tpu.memory_space<hbm>>, %arg4: memref<4096x256xf32, #tpu.memory_space<hbm>>, %arg5: memref<128xi32, #tpu.memory_space<vmem>>, %arg6: memref<128x256xf32, #tpu.memory_space<vmem>>, %arg7: memref<!tpu.dma_semaphore, #tpu.memory_space<semaphore_mem>>) attributes {dimension_semantics = [#tpu.dimension_semantics<core_parallel>, #tpu.dimension_semantics<subcore_parallel>], iteration_bounds = array<i64: 2, 16>, scalar_prefetch = 0 : i64, scratch_operands = 3 : i64, tpu.core_type = #tpu.core_type<sc_vector_subcore>, window_params = [{transform_indices = #map}, {transform_indices = #map1}, {transform_indices = #map}]} {
    %mul3A = arith.constant 2 : i32
    %mul3A_0 = arith.muli %arg1, %mul3A : i32
    %add3A = arith.addi %mul3A_0, %arg0 : i32
    %mul3A_1 = arith.constant 128 : i32
    %mul3A_2 = arith.muli %add3A, %mul3A_1 : i32
    "tpu.region"() ({
      %run_scoped3A = tpu.sem_alloc : memref<!tpu.dma_semaphore, #tpu.memory_space<semaphore_mem>>
      %dma_start3A_7 = tpu.memref_slice %arg3[%mul3A_2] : memref<4096xi32, #tpu.memory_space<hbm>> -> memref<128xi32, #tpu.memory_space<hbm>>
      %dma_start3A_8 = tpu.memref_slice %arg3[%mul3A_2] : memref<4096xi32, #tpu.memory_space<hbm>> -> memref<128xi32, #tpu.memory_space<hbm>>
      tpu.enqueue_dma source(%dma_start3A_8 : memref<128xi32, #tpu.memory_space<hbm>>) target(%arg5 : memref<128xi32, #tpu.memory_space<vmem>>) target_semaphore(%run_scoped3A : memref<!tpu.dma_semaphore, #tpu.memory_space<semaphore_mem>>)
      %dma_wait3A_9 = tpu.memref_slice %arg3[%mul3A_2] : memref<4096xi32, #tpu.memory_space<hbm>> -> memref<128xi32, #tpu.memory_space<hbm>>
      %dma_wait3A_10 = tpu.memref_slice %arg3[%mul3A_2] : memref<4096xi32, #tpu.memory_space<hbm>> -> memref<128xi32, #tpu.memory_space<hbm>>
      tpu.wait_dma2 semaphore(%run_scoped3A : memref<!tpu.dma_semaphore, #tpu.memory_space<semaphore_mem>>) src(%dma_wait3A_10 : memref<128xi32, #tpu.memory_space<hbm>>) dst(%arg5 : memref<128xi32, #tpu.memory_space<vmem>>)
      tpu.yield
    }) : () -> ()
    %dma_start3A = arith.constant 0 : i32
    %dma_start3A_3 = arith.constant 0 : i32
    %dma_start3A_4 = tpu.memref_slice %arg2[%dma_start3A, %dma_start3A_3] : memref<5532x256xf32, #tpu.memory_space<hbm>> -> memref<5532x256xf32, #tpu.memory_space<hbm>>
    tpu.enqueue_indirect_dma source(%dma_start3A_4 : memref<5532x256xf32, #tpu.memory_space<hbm>>) target(%arg6 : memref<128x256xf32, #tpu.memory_space<vmem>>) offsets(%arg5 : memref<128xi32, #tpu.memory_space<vmem>>) semaphore(%arg7 : memref<!tpu.dma_semaphore, #tpu.memory_space<semaphore_mem>>)
    %dma_wait3A = arith.constant 0 : i32
    %dma_wait3A_5 = arith.constant 0 : i32
    %dma_wait3A_6 = tpu.memref_slice %arg2[%dma_wait3A, %dma_wait3A_5] : memref<5532x256xf32, #tpu.memory_space<hbm>> -> memref<5532x256xf32, #tpu.memory_space<hbm>>
    tpu.wait_indirect_dma semaphore(%arg7 : memref<!tpu.dma_semaphore, #tpu.memory_space<semaphore_mem>>) src(%dma_wait3A_6 : memref<5532x256xf32, #tpu.memory_space<hbm>>) dst(%arg6 : memref<128x256xf32, #tpu.memory_space<vmem>>)
    "tpu.region"() ({
      %run_scoped3A = tpu.sem_alloc : memref<!tpu.dma_semaphore, #tpu.memory_space<semaphore_mem>>
      %dma_start3A_7 = arith.constant 0 : i32
      %dma_start3A_8 = tpu.memref_slice %arg4[%mul3A_2, %dma_start3A_7] : memref<4096x256xf32, #tpu.memory_space<hbm>> -> memref<128x256xf32, #tpu.memory_space<hbm>>
      %dma_start3A_9 = arith.constant 0 : i32
      %dma_start3A_10 = tpu.memref_slice %arg4[%mul3A_2, %dma_start3A_9] : memref<4096x256xf32, #tpu.memory_space<hbm>> -> memref<128x256xf32, #tpu.memory_space<hbm>>
      tpu.enqueue_dma source(%arg6 : memref<128x256xf32, #tpu.memory_space<vmem>>) target(%dma_start3A_10 : memref<128x256xf32, #tpu.memory_space<hbm>>) target_semaphore(%run_scoped3A : memref<!tpu.dma_semaphore, #tpu.memory_space<semaphore_mem>>)
      %dma_wait3A_11 = arith.constant 0 : i32
      %dma_wait3A_12 = tpu.memref_slice %arg4[%mul3A_2, %dma_wait3A_11] : memref<4096x256xf32, #tpu.memory_space<hbm>> -> memref<128x256xf32, #tpu.memory_space<hbm>>
      %dma_wait3A_13 = arith.constant 0 : i32
      %dma_wait3A_14 = tpu.memref_slice %arg4[%mul3A_2, %dma_wait3A_13] : memref<4096x256xf32, #tpu.memory_space<hbm>> -> memref<128x256xf32, #tpu.memory_space<hbm>>
      tpu.wait_dma2 semaphore(%run_scoped3A : memref<!tpu.dma_semaphore, #tpu.memory_space<semaphore_mem>>) src(%arg6 : memref<128x256xf32, #tpu.memory_space<vmem>>) dst(%dma_wait3A_14 : memref<128x256xf32, #tpu.memory_space<hbm>>)
      tpu.yield
    }) : () -> ()
    return
  }
}

module attributes {stable_mosaic.version = 14 : i64} {
  func.func @_ce_body(%arg0: i32, %arg1: memref<4096x256xf32, #tpu.memory_space<vmem>>, %arg2: memref<1024x256xbf16, #tpu.memory_space<vmem>>, %arg3: memref<1x4096xf32, #tpu.memory_space<vmem>>, %arg4: memref<1x1xf32, #tpu.memory_space<smem>>, %arg5: memref<1x4096xf32, #tpu.memory_space<vmem>>, %arg6: memref<1x4096xf32, #tpu.memory_space<vmem>>, %arg7: memref<4096x256xbf16, #tpu.memory_space<vmem>>) attributes {dimension_semantics = [#tpu.dimension_semantics<arbitrary>], iteration_bounds = array<i64: 11>, scalar_prefetch = 0 : i64, scratch_operands = 3 : i64, tpu.core_type = #tpu.core_type<tc>, window_params = [{pipeline_mode = #tpu.pipeline_mode<synchronous>, transform_indices = @transform_0, window_bounds = array<i64: 4096, 256>}, {transform_indices = @transform_1, window_bounds = array<i64: 1024, 256>}, {pipeline_mode = #tpu.pipeline_mode<synchronous>, transform_indices = @transform_2, window_bounds = array<i64: 1, 4096>}, {transform_indices = @transform_3, window_bounds = array<i64: 1, 1>}]} {
    %eq3A = arith.constant 0 : i32
    %eq3A_0 = arith.cmpi eq, %arg0, %eq3A : i32
    %convert_element_type3A = arith.extui %eq3A_0 : i1 to i32
    %cond3A = arith.constant 0 : i32
    %cond3A_1 = arith.cmpi ne, %convert_element_type3A, %cond3A : i32
    scf.if %cond3A_1 {
      %broadcast_in_dim3A = arith.constant 0xFF800000 : f32
      %broadcast_in_dim3A_18 = vector.broadcast %broadcast_in_dim3A : f32 to vector<1x4096xf32>
      %swap3A = arith.constant 0 : index
      %swap3A_19 = arith.constant 0 : index
      %swap3A_20 = vector.load %arg5[%swap3A, %swap3A_19] : memref<1x4096xf32, #tpu.memory_space<vmem>>, vector<1x4096xf32>
      tpu.vector_store %arg5[%swap3A, %swap3A_19], %broadcast_in_dim3A_18 {strides = array<i32>} : memref<1x4096xf32, #tpu.memory_space<vmem>>, vector<1x4096xf32>,
      %broadcast_in_dim3A_21 = arith.constant 0.000000e+00 : f32
      %broadcast_in_dim3A_22 = vector.broadcast %broadcast_in_dim3A_21 : f32 to vector<1x4096xf32>
      %swap3A_23 = arith.constant 0 : index
      %swap3A_24 = arith.constant 0 : index
      %swap3A_25 = vector.load %arg6[%swap3A_23, %swap3A_24] : memref<1x4096xf32, #tpu.memory_space<vmem>>, vector<1x4096xf32>
      tpu.vector_store %arg6[%swap3A_23, %swap3A_24], %broadcast_in_dim3A_22 {strides = array<i32>} : memref<1x4096xf32, #tpu.memory_space<vmem>>, vector<1x4096xf32>,
      %get3A_26 = arith.constant 0 : index
      %get3A_27 = arith.constant 0 : index
      %get3A_28 = vector.load %arg1[%get3A_26, %get3A_27] : memref<4096x256xf32, #tpu.memory_space<vmem>>, vector<4096x256xf32>
      %convert_element_type3A_29 = arith.truncf %get3A_28 : vector<4096x256xf32> to vector<4096x256xbf16>
      %swap3A_30 = arith.constant 0 : index
      %swap3A_31 = arith.constant 0 : index
      %swap3A_32 = vector.load %arg7[%swap3A_30, %swap3A_31] : memref<4096x256xbf16, #tpu.memory_space<vmem>>, vector<4096x256xbf16>
      tpu.vector_store %arg7[%swap3A_30, %swap3A_31], %convert_element_type3A_29 {strides = array<i32>} : memref<4096x256xbf16, #tpu.memory_space<vmem>>, vector<4096x256xbf16>,
    } else {
    }
    %get3A = arith.constant 0 : index
    %get3A_2 = arith.constant 0 : index
    %get3A_3 = vector.load %arg2[%get3A, %get3A_2] : memref<1024x256xbf16, #tpu.memory_space<vmem>>, vector<1024x256xbf16>
    %get3A_4 = arith.constant 0 : index
    %get3A_5 = arith.constant 0 : index
    %get3A_6 = vector.load %arg7[%get3A_4, %get3A_5] : memref<4096x256xbf16, #tpu.memory_space<vmem>>, vector<4096x256xbf16>
    %dot_general3A = arith.constant dense<0.000000e+00> : vector<1024x4096xf32>
    %dot_general3A_7 = tpu.matmul %get3A_3, %get3A_6, %dot_general3A {dimension_numbers = #tpu.dot_dimension_numbers<[1], [1], [0], [0], [0, 0, 1, 0], [], []>, transpose_lhs_hint = false} : vector<1024x256xbf16>, vector<4096x256xbf16>, vector<1024x4096xf32> -> vector<1024x4096xf32>
    %convert_element_type3A_8 = arith.truncf %dot_general3A_7 : vector<1024x4096xf32> to vector<1024x4096xbf16>
    %lt3A = arith.constant 10 : i32
    %lt3A_9 = arith.cmpi slt, %arg0, %lt3A : i32
    %convert_element_type3A_10 = arith.extui %lt3A_9 : i1 to i32
    %cond3A_11 = arith.constant 0 : i32
    %cond3A_12 = arith.cmpi ne, %convert_element_type3A_10, %cond3A_11 : i32
    scf.if %cond3A_12 {
      %get3A_18 = arith.constant 0 : index
      %get3A_19 = arith.constant 0 : index
      %get3A_20 = vector.load %arg5[%get3A_18, %get3A_19] : memref<1x4096xf32, #tpu.memory_space<vmem>>, vector<1x4096xf32>
      %reduce_max3A = arith.constant dense<0xFF80> : vector<4096xbf16>
      %reduce_max3A_21 = vector.multi_reduction <maximumf>, %convert_element_type3A_8, %reduce_max3A [0] : vector<1024x4096xbf16> to vector<4096xbf16>
      %broadcast_in_dim3A = vector.shape_cast %reduce_max3A_21 : vector<4096xbf16> to vector<1x4096xbf16>
      %convert_element_type3A_22 = arith.extf %broadcast_in_dim3A : vector<1x4096xbf16> to vector<1x4096xf32>
      %max3A = arith.maximumf %get3A_20, %convert_element_type3A_22 : vector<1x4096xf32>
      %convert_element_type3A_23 = arith.truncf %max3A : vector<1x4096xf32> to vector<1x4096xbf16>
      %sub3A = vector.broadcast %convert_element_type3A_23 : vector<1x4096xbf16> to vector<1024x4096xbf16>
      %sub3A_24 = arith.subf %convert_element_type3A_8, %sub3A : vector<1024x4096xbf16>
      %exp23A = math.exp2 %sub3A_24 : vector<1024x4096xbf16>
      %broadcast_in_dim3A_25 = arith.constant 1.000000e+00 : bf16
      %broadcast_in_dim3A_26 = vector.broadcast %broadcast_in_dim3A_25 : bf16 to vector<1x1024xbf16>
      %dot_general3A_27 = arith.constant dense<0.000000e+00> : vector<1x4096xf32>
      %dot_general3A_28 = tpu.matmul %broadcast_in_dim3A_26, %exp23A, %dot_general3A_27 {dimension_numbers = #tpu.dot_dimension_numbers<[1], [0], [0], [1], [0, 0, 1, 1], [], []>, transpose_lhs_hint = false} : vector<1x1024xbf16>, vector<1024x4096xbf16>, vector<1x4096xf32> -> vector<1x4096xf32>
      %get3A_29 = arith.constant 0 : index
      %get3A_30 = arith.constant 0 : index
      %get3A_31 = vector.load %arg6[%get3A_29, %get3A_30] : memref<1x4096xf32, #tpu.memory_space<vmem>>, vector<1x4096xf32>
      %sub3A_32 = arith.subf %get3A_20, %max3A : vector<1x4096xf32>
      %exp23A_33 = math.exp2 %sub3A_32 : vector<1x4096xf32>
      %mul3A = arith.mulf %get3A_31, %exp23A_33 : vector<1x4096xf32>
      %add3A = arith.addf %mul3A, %dot_general3A_28 : vector<1x4096xf32>
      %swap3A = arith.constant 0 : index
      %swap3A_34 = arith.constant 0 : index
      %swap3A_35 = vector.load %arg6[%swap3A, %swap3A_34] : memref<1x4096xf32, #tpu.memory_space<vmem>>, vector<1x4096xf32>
      tpu.vector_store %arg6[%swap3A, %swap3A_34], %add3A {strides = array<i32>} : memref<1x4096xf32, #tpu.memory_space<vmem>>, vector<1x4096xf32>,
      %swap3A_36 = arith.constant 0 : index
      %swap3A_37 = arith.constant 0 : index
      %swap3A_38 = vector.load %arg5[%swap3A_36, %swap3A_37] : memref<1x4096xf32, #tpu.memory_space<vmem>>, vector<1x4096xf32>
      tpu.vector_store %arg5[%swap3A_36, %swap3A_37], %max3A {strides = array<i32>} : memref<1x4096xf32, #tpu.memory_space<vmem>>, vector<1x4096xf32>,
    } else {
    }
    %eq3A_13 = arith.constant 10 : i32
    %eq3A_14 = arith.cmpi eq, %arg0, %eq3A_13 : i32
    %convert_element_type3A_15 = arith.extui %eq3A_14 : i1 to i32
    %cond3A_16 = arith.constant 0 : i32
    %cond3A_17 = arith.cmpi ne, %convert_element_type3A_15, %cond3A_16 : i32
    scf.if %cond3A_17 {
      %iota3A = tpu.iota {dimensions = array<i32: 0>} : vector<1024x4096xi32>
      %lt3A_18 = arith.constant 292 : i32
      %lt3A_19 = vector.broadcast %lt3A_18 : i32 to vector<1024x4096xi32>
      %lt3A_20 = arith.cmpi slt, %iota3A, %lt3A_19 : vector<1024x4096xi32>
      %jit3A = arith.constant 0xFF800000 : f32
      %convert_element_type3A_21 = arith.truncf %jit3A : f32 to bf16
      %broadcast_in_dim3A = vector.broadcast %convert_element_type3A_21 : bf16 to vector<1024x4096xbf16>
      %select_n3A = arith.select %lt3A_20, %convert_element_type3A_8, %broadcast_in_dim3A : vector<1024x4096xi1>, vector<1024x4096xbf16>
      %get3A_22 = arith.constant 0 : index
      %get3A_23 = arith.constant 0 : index
      %get3A_24 = vector.load %arg5[%get3A_22, %get3A_23] : memref<1x4096xf32, #tpu.memory_space<vmem>>, vector<1x4096xf32>
      %reduce_max3A = arith.constant dense<0xFF80> : vector<4096xbf16>
      %reduce_max3A_25 = vector.multi_reduction <maximumf>, %select_n3A, %reduce_max3A [0] : vector<1024x4096xbf16> to vector<4096xbf16>
      %broadcast_in_dim3A_26 = vector.shape_cast %reduce_max3A_25 : vector<4096xbf16> to vector<1x4096xbf16>
      %convert_element_type3A_27 = arith.extf %broadcast_in_dim3A_26 : vector<1x4096xbf16> to vector<1x4096xf32>
      %max3A = arith.maximumf %get3A_24, %convert_element_type3A_27 : vector<1x4096xf32>
      %convert_element_type3A_28 = arith.truncf %max3A : vector<1x4096xf32> to vector<1x4096xbf16>
      %sub3A = vector.broadcast %convert_element_type3A_28 : vector<1x4096xbf16> to vector<1024x4096xbf16>
      %sub3A_29 = arith.subf %select_n3A, %sub3A : vector<1024x4096xbf16>
      %exp23A = math.exp2 %sub3A_29 : vector<1024x4096xbf16>
      %broadcast_in_dim3A_30 = arith.constant 1.000000e+00 : bf16
      %broadcast_in_dim3A_31 = vector.broadcast %broadcast_in_dim3A_30 : bf16 to vector<1x1024xbf16>
      %dot_general3A_32 = arith.constant dense<0.000000e+00> : vector<1x4096xf32>
      %dot_general3A_33 = tpu.matmul %broadcast_in_dim3A_31, %exp23A, %dot_general3A_32 {dimension_numbers = #tpu.dot_dimension_numbers<[1], [0], [0], [1], [0, 0, 1, 1], [], []>, transpose_lhs_hint = false} : vector<1x1024xbf16>, vector<1024x4096xbf16>, vector<1x4096xf32> -> vector<1x4096xf32>
      %get3A_34 = arith.constant 0 : index
      %get3A_35 = arith.constant 0 : index
      %get3A_36 = vector.load %arg6[%get3A_34, %get3A_35] : memref<1x4096xf32, #tpu.memory_space<vmem>>, vector<1x4096xf32>
      %sub3A_37 = arith.subf %get3A_24, %max3A : vector<1x4096xf32>
      %exp23A_38 = math.exp2 %sub3A_37 : vector<1x4096xf32>
      %mul3A = arith.mulf %get3A_36, %exp23A_38 : vector<1x4096xf32>
      %add3A = arith.addf %mul3A, %dot_general3A_33 : vector<1x4096xf32>
      %swap3A = arith.constant 0 : index
      %swap3A_39 = arith.constant 0 : index
      %swap3A_40 = vector.load %arg6[%swap3A, %swap3A_39] : memref<1x4096xf32, #tpu.memory_space<vmem>>, vector<1x4096xf32>
      tpu.vector_store %arg6[%swap3A, %swap3A_39], %add3A {strides = array<i32>} : memref<1x4096xf32, #tpu.memory_space<vmem>>, vector<1x4096xf32>,
      %swap3A_41 = arith.constant 0 : index
      %swap3A_42 = arith.constant 0 : index
      %swap3A_43 = vector.load %arg5[%swap3A_41, %swap3A_42] : memref<1x4096xf32, #tpu.memory_space<vmem>>, vector<1x4096xf32>
      tpu.vector_store %arg5[%swap3A_41, %swap3A_42], %max3A {strides = array<i32>} : memref<1x4096xf32, #tpu.memory_space<vmem>>, vector<1x4096xf32>,
      %get3A_44 = arith.constant 0 : index
      %get3A_45 = arith.constant 0 : index
      %get3A_46 = vector.load %arg5[%get3A_44, %get3A_45] : memref<1x4096xf32, #tpu.memory_space<vmem>>, vector<1x4096xf32>
      %get3A_47 = arith.constant 0 : index
      %get3A_48 = arith.constant 0 : index
      %get3A_49 = vector.load %arg6[%get3A_47, %get3A_48] : memref<1x4096xf32, #tpu.memory_space<vmem>>, vector<1x4096xf32>
      %log3A = math.log %get3A_49 : vector<1x4096xf32>
      %mul3A_50 = arith.constant 1.44269502 : f32
      %mul3A_51 = vector.broadcast %mul3A_50 : f32 to vector<1x4096xf32>
      %mul3A_52 = arith.mulf %log3A, %mul3A_51 : vector<1x4096xf32>
      %add3A_53 = arith.addf %get3A_46, %mul3A_52 : vector<1x4096xf32>
      %get3A_54 = arith.constant 0 : index
      %get3A_55 = arith.constant 0 : index
      %get3A_56 = vector.load %arg3[%get3A_54, %get3A_55] : memref<1x4096xf32, #tpu.memory_space<vmem>>, vector<1x4096xf32>
      %mul3A_57 = arith.mulf %add3A_53, %get3A_56 : vector<1x4096xf32>
      %reduce_sum3A = vector.shape_cast %mul3A_57 : vector<1x4096xf32> to vector<1x1x4096xf32>
      %reduce_sum3A_58 = arith.constant dense<0.000000e+00> : vector<1xf32>
      %reduce_sum3A_59 = vector.multi_reduction <add>, %reduce_sum3A, %reduce_sum3A_58 [1, 2] : vector<1x1x4096xf32> to vector<1xf32>
      %reduce_sum3A_60 = vector.shape_cast %reduce_sum3A_59 : vector<1xf32> to vector<1x1x1xf32>
      %reduce_sum3A_61 = vector.extract %reduce_sum3A_60[0, 0, 0] : f32 from vector<1x1x1xf32>
      %swap3A_62 = arith.constant 0 : index
      %swap3A_63 = arith.constant 0 : index
      %swap3A_64 = memref.load %arg4[%swap3A_62, %swap3A_63] : memref<1x1xf32, #tpu.memory_space<smem>>
      memref.store %reduce_sum3A_61, %arg4[%swap3A_62, %swap3A_63] : memref<1x1xf32, #tpu.memory_space<smem>>
    } else {
    }
    return
  }
  func.func @transform_0(%arg0: i32) -> (i32, i32) {
    %c0_i32 = arith.constant 0 : i32
    %c0_i32_0 = arith.constant 0 : i32
    %c0_i32_1 = arith.constant 0 : i32
    return %c0_i32, %c0_i32_0 : i32, i32
  }
  func.func @transform_1(%arg0: i32) -> (i32, i32) {
    %c0_i32 = arith.constant 0 : i32
    %c0_i32_0 = arith.constant 0 : i32
    return %arg0, %c0_i32 : i32, i32
  }
  func.func @transform_2(%arg0: i32) -> (i32, i32) {
    %c0_i32 = arith.constant 0 : i32
    %c0_i32_0 = arith.constant 0 : i32
    %c0_i32_1 = arith.constant 0 : i32
    return %c0_i32, %c0_i32_0 : i32, i32
  }
  func.func @transform_3(%arg0: i32) -> (i32, i32) {
    %c0_i32 = arith.constant 0 : i32
    %c0_i32_0 = arith.constant 0 : i32
    %c0_i32_1 = arith.constant 0 : i32
    return %c0_i32, %c0_i32_0 : i32, i32
  }
}

module attributes {stable_mosaic.version = 14 : i64} {
  func.func @_fin_body(%arg0: memref<4096x256xf32, #tpu.memory_space<vmem>>, %arg1: memref<4096x256xf32, #tpu.memory_space<vmem>>, %arg2: memref<1x4096xf32, #tpu.memory_space<vmem>>, %arg3: memref<1x1xf32, #tpu.memory_space<smem>>, %arg4: memref<1x1xf32, #tpu.memory_space<smem>>) attributes {dimension_semantics = [], scalar_prefetch = 0 : i64, scratch_operands = 0 : i64, tpu.core_type = #tpu.core_type<tc>} {
    %get3A = arith.constant 0 : index
    %get3A_0 = arith.constant 0 : index
    %get3A_1 = vector.load %arg0[%get3A, %get3A_0] : memref<4096x256xf32, #tpu.memory_space<vmem>>, vector<4096x256xf32>
    %get3A_2 = arith.constant 0 : index
    %get3A_3 = arith.constant 0 : index
    %get3A_4 = vector.load %arg1[%get3A_2, %get3A_3] : memref<4096x256xf32, #tpu.memory_space<vmem>>, vector<4096x256xf32>
    %mul3A = arith.mulf %get3A_1, %get3A_4 : vector<4096x256xf32>
    %convert_element_type3A = arith.truncf %mul3A : vector<4096x256xf32> to vector<4096x256xbf16>
    %get3A_5 = arith.constant 0 : index
    %get3A_6 = arith.constant 0 : index
    %get3A_7 = vector.load %arg2[%get3A_5, %get3A_6] : memref<1x4096xf32, #tpu.memory_space<vmem>>, vector<1x4096xf32>
    %convert_element_type3A_8 = arith.truncf %get3A_7 : vector<1x4096xf32> to vector<1x4096xbf16>
    %dot_general3A = arith.constant dense<0.000000e+00> : vector<1x256xf32>
    %dot_general3A_9 = tpu.matmul %convert_element_type3A_8, %convert_element_type3A, %dot_general3A {dimension_numbers = #tpu.dot_dimension_numbers<[1], [0], [0], [1], [0, 0, 1, 1], [], []>, transpose_lhs_hint = false} : vector<1x4096xbf16>, vector<4096x256xbf16>, vector<1x256xf32> -> vector<1x256xf32>
    %reduce_sum3A = vector.shape_cast %dot_general3A_9 : vector<1x256xf32> to vector<1x1x256xf32>
    %reduce_sum3A_10 = arith.constant dense<0.000000e+00> : vector<1xf32>
    %reduce_sum3A_11 = vector.multi_reduction <add>, %reduce_sum3A, %reduce_sum3A_10 [1, 2] : vector<1x1x256xf32> to vector<1xf32>
    %reduce_sum3A_12 = vector.shape_cast %reduce_sum3A_11 : vector<1xf32> to vector<1x1x1xf32>
    %reduce_sum3A_13 = vector.extract %reduce_sum3A_12[0, 0, 0] : f32 from vector<1x1x1xf32>
    %get3A_14 = arith.constant 0 : index
    %get3A_15 = arith.constant 0 : index
    %get3A_16 = vector.load %arg2[%get3A_14, %get3A_15] : memref<1x4096xf32, #tpu.memory_space<vmem>>, vector<1x4096xf32>
    %reduce_sum3A_17 = vector.shape_cast %get3A_16 : vector<1x4096xf32> to vector<1x1x4096xf32>
    %reduce_sum3A_18 = arith.constant dense<0.000000e+00> : vector<1xf32>
    %reduce_sum3A_19 = vector.multi_reduction <add>, %reduce_sum3A_17, %reduce_sum3A_18 [1, 2] : vector<1x1x4096xf32> to vector<1xf32>
    %reduce_sum3A_20 = vector.shape_cast %reduce_sum3A_19 : vector<1xf32> to vector<1x1x1xf32>
    %reduce_sum3A_21 = vector.extract %reduce_sum3A_20[0, 0, 0] : f32 from vector<1x1x1xf32>
    %max3A = arith.constant 1.000000e+00 : f32
    %max3A_22 = arith.maximumf %reduce_sum3A_21, %max3A : f32
    %get3A_23 = arith.constant 0 : index
    %get3A_24 = arith.constant 0 : index
    %get3A_25 = memref.load %arg3[%get3A_23, %get3A_24] : memref<1x1xf32, #tpu.memory_space<smem>>
    %mul3A_26 = arith.constant 0.693147182 : f32
    %mul3A_27 = arith.mulf %mul3A_26, %get3A_25 : f32
    %mul3A_28 = arith.constant 3.000000e+01 : f32
    %mul3A_29 = arith.mulf %mul3A_28, %reduce_sum3A_13 : f32
    %sub3A = arith.subf %mul3A_27, %mul3A_29 : f32
    %div3A = arith.divf %sub3A, %max3A_22 : f32
    %swap3A = arith.constant 0 : index
    %swap3A_30 = arith.constant 0 : index
    %swap3A_31 = memref.load %arg4[%swap3A, %swap3A_30] : memref<1x1xf32, #tpu.memory_space<smem>>
    memref.store %div3A, %arg4[%swap3A, %swap3A_30] : memref<1x1xf32, #tpu.memory_space<smem>>
    return
  }
}

</mosaic_0001>

<sc_bundles>
// kernel: kernel.5.cloned.1.call-start
scs
__scs_entry_jumppad:
0x0: {  	(pc) =	sbr.rel $0x88, $3  }
0x1: {  	(tag) =	ssettag $0x0;
	lr =	simm.s32 $0x1  }
0x2: {  	[smem:$0x3F9D] =	sst lr;
	_ =	strace $0xD0000000  }
0x3: {  	_ = 	snop  }
0x4: {  	_ = 	snop  }
0x5: {  	_ = 	snop  }
0x6: {  	_ = 	snop  }
0x7: {  	_ = 	snop  }
__scs_overlays_trampoline_lowered:
0x8: {  	[smem:$0x3FAC] =	sst s0  }
0x9: {  	[smem:$0x3FAD] =	sst s1  }
0xa: {  	[smem:$0x3FAE] =	sst s2  }
0xb: {  	[smem:$0x3FAF] =	sst s3  }
0xc: {  	[smem:$0x3FB0] =	sst s4  }
0xd: {  	[smem:$0x3FB1] =	sst s5  }
0xe: {  	[smem:$0x3FB2] =	sst s6  }
0xf: {  	[smem:$0x3FB3] =	sst s7  }
0x10: {  	[smem:$0x3FB4] =	sst s8  }
0x11: {  	[smem:$0x3FB5] =	sst s9;
	s0 =	simm.s32 @!p0 $0x0  }
0x12: {  	s1 =	sld [smem:$0x3F9B];
	s0 =	simm.s32 @p0 $0x1  }
0x13: {  	[smem:$0x3FB6] =	sst s0;
	s0 =	simm.s32 @!p1 $0x0  }
0x14: {  	s2 =	sld [smem:$0x3F9A];
	s0 =	simm.s32 @p1 $0x1  }
0x15: {  	[smem:$0x3FB7] =	sst s0;
	s0 =	simm.s32 @!p2 $0x0  }
0x16: {  	s3 =	sld [smem:$0x3FDB];
	s0 =	simm.s32 @p2 $0x1  }
0x17: {  	s4 =	simm.s32 $0x1BF5;
	[smem:$0x3FB9] =	sst s0  }
0x18: {  	s0 =	sld [smem:$0x3F9C];
	_ =	swait.ge [sflag:s4], $0x0  }
0x19: {  	s7 =	sld [smem:$0x3F9D]  }
0x1a: {  	s8 =	sadd.s32 $0xFFFFE003, lr  }
0x1b: {  	s9 =	sadd.s32 $0xFFFFFEF7, lr;
	s5 =	simm.s32 $0xFFFFFFFF;
	p2 =	slt.u32 s8, $0xFFFFF086  }
0x1c: {  	p1 =	slt.u32 s9, $0xF7A;
	s5 =	simm.s32 @!p2 $0x0  }
0x1d: {  	s5 =	simm.s32 @p1 $0x1;
	p0 =	seq.s32 s7, s2  }
0x1e: {  	s7 =	smul.u32 @!p0 $0xF7A, s2;
	p2 =	seq.s32 @!p0 s5, $0x0  }
0x1f: {  	s9 =	smul.u32 $0xF7A, s1;
	s8 =	simm.s32 @!p0 $0x1BF5;
	p2 =	por !p2, p0  }
0x20: {  	[sflag:s8] =	ssyncset.s32 @!p0 $0xFFFFF086;
	s6 =	sadd.s32 @!p0 s3, s7;
	s7 =	simm.s32 @!p0 $0x108  }
0x21: {  	s3 =	sadd.s32 s3, s9;
	s6 =	sadd.s32 @!p0 $0x88, s6;
	s7 =	simm.s32 @p2 $0x1082  }
0x22: {  	[simem:s7], [sflag:s8] =	dma.local @!p0 [hbm:s6], $0xF7A  }
0x23: {  	s9 =	sor.u32 $0xD0000000, s2;
	s6 =	simm.s32 $0x108;
	_ =	swait.ge @!p0 [sflag:s8], $0x0  }
0x24: {  	s3 =	sadd.s32 $0x88, s3;
	s6 =	simm.s32 @!p1 $0x1082;
	[sflag:s4] =	ssyncset.s32 $0xFFFFF086  }
0x25: {  	[simem:s6], [sflag:s4] =	dma.local [hbm:s3], $0xF7A  }
0x26: {  	[smem:$0x3F9D] =	sst s1;
	(tag) =	ssettag s2;
	_ =	strace s9  }
0x27: {  	s1 =	sld [smem:$0x3FAD]  }
0x28: {  	s2 =	sld [smem:$0x3FAE]  }
0x29: {  	s4 =	sld [smem:$0x3FB0]  }
0x2a: {  	p0 =	seq.s32 s5, $0x0;
	s5 =	sld [smem:$0x3FB1]  }
0x2b: {  	s6 =	sld [smem:$0x3FB2]  }
0x2c: {  	s7 =	sld [smem:$0x3FB3]  }
0x2d: {  	s3 =	simm.s32 $0x108;
	s8 =	sld [smem:$0x3FB4]  }
0x2e: {  	s3 =	simm.s32 @!p0 $0x1082;
	s9 =	sld [smem:$0x3FB5]  }
0x2f: {  	lr =	sadd.s32 s0, s3;
	s0 =	sld [smem:$0x3FAC]  }
0x30: {  	s3 =	sld [smem:$0x3FAF]  }
0x31: {  	[smem:$0x3FB8] =	sst s10  }
0x32: {  	s10 =	sld [smem:$0x3FB6];
	_ =	sdelay $0x3  }
0x33: {  	p0 =	seq.s32 s10, $0x1;
	s10 =	sld [smem:$0x3FB8];
	_ =	sdelay $0x3  }
0x34: {  	[smem:$0x3FB8] =	sst s10  }
0x35: {  	s10 =	sld [smem:$0x3FB7];
	_ =	sdelay $0x3  }
0x36: {  	p1 =	seq.s32 s10, $0x1;
	s10 =	sld [smem:$0x3FB8];
	_ =	sdelay $0x3  }
0x37: {  	[smem:$0x3FB8] =	sst s10  }
0x38: {  	s10 =	sld [smem:$0x3FB9]  }
0x39: {  	_ = 	snop;
	(pc) =	sbr.ind lr, $3  }
0x3a: {  	_ = 	snop  }
0x3b: {  	_ = 	snop  }
0x3c: {  	p2 =	seq.s32 s10, $0x1;
	s10 =	sld [smem:$0x3FB8]  }
0x3d: {  	_ =	shalt  }
0x3e: {  	_ =	shalt  }
0x3f: {  	_ =	shalt  }
0x40: {  	_ =	shalt  }
0x41: {  	_ =	shalt  }
0x42: {  	_ =	shalt  }
0x43: {  	_ =	shalt  }
0x44: {  	_ =	shalt  }
0x45: {  	_ =	shalt  }
0x46: {  	_ =	shalt  }
0x47: {  	_ =	shalt  }
0x48: {  	_ =	shalt  }
0x49: {  	_ =	shalt  }
0x4a: {  	_ =	shalt  }
0x4b: {  	_ =	shalt  }
0x4c: {  	_ =	shalt  }
0x4d: {  	_ =	shalt  }
0x4e: {  	_ =	shalt  }
0x4f: {  	_ =	shalt  }
0x50: {  	_ =	shalt  }
0x51: {  	_ =	shalt  }
0x52: {  	_ =	shalt  }
0x53: {  	_ =	shalt  }
0x54: {  	_ =	shalt  }
0x55: {  	_ =	shalt  }
0x56: {  	_ =	shalt  }
0x57: {  	_ =	shalt  }
0x58: {  	_ =	shalt  }
0x59: {  	_ =	shalt  }
0x5a: {  	_ =	shalt  }
0x5b: {  	_ =	shalt  }
0x5c: {  	_ =	shalt  }
0x5d: {  	_ =	shalt  }
0x5e: {  	_ =	shalt  }
0x5f: {  	_ =	shalt  }
0x60: {  	_ =	shalt  }
0x61: {  	_ =	shalt  }
0x62: {  	_ =	shalt  }
0x63: {  	_ =	shalt  }
0x64: {  	_ =	shalt  }
0x65: {  	_ =	shalt  }
0x66: {  	_ =	shalt  }
0x67: {  	_ =	shalt  }
0x68: {  	_ =	shalt  }
0x69: {  	_ =	shalt  }
0x6a: {  	_ =	shalt  }
0x6b: {  	_ =	shalt  }
0x6c: {  	_ =	shalt  }
0x6d: {  	_ =	shalt  }
0x6e: {  	_ =	shalt  }
0x6f: {  	_ =	shalt  }
0x70: {  	_ =	shalt  }
0x71: {  	_ =	shalt  }
0x72: {  	_ =	shalt  }
0x73: {  	_ =	shalt  }
0x74: {  	_ =	shalt  }
0x75: {  	_ =	shalt  }
0x76: {  	_ =	shalt  }
0x77: {  	_ =	shalt  }
0x78: {  	_ =	shalt  }
0x79: {  	_ =	shalt  }
0x7a: {  	_ =	shalt  }
0x7b: {  	_ =	shalt  }
0x7c: {  	_ =	shalt  }
0x7d: {  	_ =	shalt  }
0x7e: {  	_ =	shalt  }
0x7f: {  	_ =	shalt  }
0x80: {  	_ =	shalt  }
0x81: {  	_ =	shalt  }
0x82: {  	_ =	shalt  }
0x83: {  	_ =	shalt  }
0x84: {  	_ =	shalt  }
0x85: {  	_ =	shalt  }
0x86: {  	_ =	shalt  }
0x87: {  	_ =	shalt  }
.Lfunc_end0:
.L_simem_size_0:
called_computation_lowered:
.L_overlay_start_0:
0x88: {  	s2 =	sld [smem:$0x3FD9]  }
0x89: {  	s3 =	sld [smem:$0x3FFE];
	_ =	sdelay $0x1  }
0x8a: {  	s1 =	srdreg.scid  }
0x8b: {  	s0 =	sand.u32 $0x1, s1  }
0x8c: {  	s17 =	sshll.u32 s0, $0xA;
	s2 =	sadd.s32 s3, s2  }
0x8d: {  	s2 =	sadd.s32 s2, s17  }
0x8e: {  	[smem:$0x3FC4] =	sst s2  }
0x8f: {  	_ = 	snop  }
0x90: {  	s2 =	sld [smem:$0x3FC7];
	(tm) =	ssettm $0x1  }
0x91: {  	s18 =	sld [smem:$0x3FFB];
	_ =	sdelay $0x3  }
0x92: {  	_ =	strace s18  }
0x93: {  	s3 =	sld [smem:$0x3FFC];
	_ =	sdelay $0x3  }
0x94: {  	_ =	strace s3  }
0x95: {  	s3 =	sld [smem:$0x3FFD];
	_ =	sdelay $0x3  }
0x96: {  	_ =	strace s3  }
0x97: {  	_ =	strace $0x8FFFFFFF  }
0x98: {  	s19 =	sld [smem:$0x3FDB];
	_ =	sdelay $0x1  }
0x99: {  	s4 =	simm.s32 $_scs_section_size  }
0x9a: {  	s5 =	simm.s32 $_size__tile_overlayer_lowered;
	s6 =	simm.s32 $_tile_overlayer_lowered  }
0x9b: {  	s22 =	simm.s32 $0x1BFF;
	s21 =	sshll.u32 s6, $0x1;
	s3 =	sadd.s32 s4, s19  }
0x9c: {  	s7 =	simm.s32 $0x0;
	s20 =	sshll.u32 s5, $0x1;
	s5 =	sadd.s32 s21, s3  }
0x9d: {  	[timem:s7], [sflag:s22] =	dma.local [hbm:s5], s20  }
0x9e: {  	_ =	swait.ge [sflag:s22], s20  }
0x9f: {  	s4 =	ssub.s32 $0x0, s20;
	[sflag:s22] =	ssyncset.done $0x0  }
0xa0: {  	[sflag:s22] =	ssyncadd.s32 s4;
	_ =	sdelay $0x1  }
0xa1: {  	s23 =	simm.s32 $0x1B8B  }
0xa2: {  	_ =	swait.ge [sflag:s23], $0x1  }
0xa3: {  	[sflag:s23] =	ssyncset.done $0x0  }
0xa4: {  	s25 =	simm.s32 $0x1B8E;
	s24 =	sld [smem:$0x3FFE];
	[sflag:s23] =	ssyncadd.s32 $0xFFFFFFFF  }
0xa5: {  	s26 =	simm.s32 $execute0_lowered;
	[smem:$0x3FD2] =	sst s25  }
0xa6: {  	s5 =	sshll.u32 s26, $0x1;
	_ =	strace $0x80000046;
	[dreg:$0x1] =	wrdreg $0xFFFFFFFF  }
0xa7: {  	s28 =	simm.s32 $_size_execute0_lowered;
	s3 =	sadd.s32 s3, s5;
	[dreg:$0x0] =	wrdreg $0x0  }
0xa8: {  	s5 =	sshll.u32 s28, $0x1;
	[dreg:$0x2] =	wrdreg s3  }
0xa9: {  	[dreg:$0x3] =	wrdreg s5  }
0xaa: {  	[dreg:$0x4] =	wrdreg $0xC0  }
0xab: {  	_ =	task [dreg:s7], $0x5FFFF  }
0xac: {  	[dreg:$0x1] =	wrdreg $0xFFFFFFFF  }
0xad: {  	[dreg:$0x0] =	wrdreg $0x60  }
0xae: {  	[dreg:$0x2] =	wrdreg s2  }
0xaf: {  	[dreg:$0x3] =	wrdreg s24  }
0xb0: {  	[dreg:$0x4] =	wrdreg $0x9  }
0xb1: {  	_ =	task.clear_ibuf [dreg:s7], $0x5FFFF;
	_ =	strace $0x90000046  }
0xb2: {  	s29 =	simm.s32 $0x9;
	_ =	strace $0x80000048  }
0xb3: {  	_ =	swait.ge [sflag:s29], $0x1  }
0xb4: {  	[sflag:s29] =	ssyncadd.s32 $0xFFFFFFFF  }
0xb5: {  	_ =	strace $0x90000048  }
0xb6: {  	_ =	sfence  }
0xb7: {  	s30 =	sld [smem:$0x0];
	_ =	sdelay $0x2  }
0xb8: {  	s31 =	sshll.u32 s1, $0xD;
	s1 =	sshrl.u32 s1, $0x2  }
0xb9: {  	s3 =	sand.u32 $0x4000, s31;
	s1 =	sadd.s32 s1, s30  }
0xba: {  	s0 =	sor.u32 s3, s0;
	s1 =	sshll.u32 s1, $0x11  }
0xbb: {  	s0 =	sor.u32 s1, s0  }
0xbc: {  	s0 =	sadd.s32 $0x8F2B, s0  }
0xbd: {  	[sflag:s0] =	ssyncadd.remote.s32 $0x1  }
0xbe: {  	_ =	sfence.sel $0xFFFF  }
0xbf: {  	[dreg:$0x0] =	wrdreg $0xFFFFFFFF;
	(pc) =	sbr.abs _section_cstart, $3  }
0xc0: {  	[dreg:$0x1] =	wrdreg $0xFFFFFFFF  }
0xc1: {  	_ =	task.clear_ibuf [dreg:s7], $0x2FFFF;
	_ =	strace $0x9FFFFFFF  }
0xc2: {  	(tm) =	ssettm $0x7FFFFFFF  }
0xc3: {  	_ =	shalt  }
tec
execute0_lowered:
.L_overlay_start_1:
0x0: {  	(tag) =	ssettag $0x1  }
0x1: {  	s1 =	rddreg [dreg:$0x0]  }
0x2: {  	s4 =	rddreg [dreg:$0x1]  }
0x3: {  	s0 =	rddreg [dreg:$0x2];
	s5 =	srdreg.scid  }
0x4: {  	s3 =	simm.s32 $0x0;
	s2 =	stileid.u32;
	s9 =	simm.s32 $0x880  }
0x5: {  	s10 =	simm.s32 $0x1080;
	s11 =	simm.s32 $0x1880;
	s12 =	simm.s32 $0x2080  }
0x6: {  	s13 =	simm.s32 $0x2880;
	s14 =	simm.s32 $0x3080;
	s15 =	simm.s32 $0x3880  }
0x7: {  	s16 =	simm.s32 $0x4080;
	s17 =	simm.s32 $0x4880;
	s18 =	simm.s32 $0x5080  }
0x8: {  	s19 =	simm.s32 $0x5880;
	s20 =	simm.s32 $0x6080;
	s21 =	simm.s32 $0x6880  }
0x9: {  	s22 =	simm.s32 $0x7080;
	s23 =	simm.s32 $0x7880;
	s5 =	sand.u32 $0x1, s5  }
0xa: {  	[smem:$0x7FF] =	sst s3;
	s6 =	sshll.u32 s2, $0x8;
	s7 =	sshll.u32 s5, $0x7  }
0xb: {  	s24 =	simm.s32 $0x1;
	_ =	strace $0x80000047;
	s6 =	sor.u32 s7, s6  }
0xc: {  	s5 =	ssub.s32 $0x2, s5;
	s7 =	sshrl.u32 s6, $0x3;
	s6 =	sshll.u32 s6, $0x5  }
0xd: {  	v2 =	vlaneseq.u32;
	s8 =	sshrl.u32 s5, $0x1;
	s7 =	sadd.s32 s7, s4;
	s6 =	sadd.s32 s6, s4  }
0xe: {  	vm0 =	vmmov $0xffff;
	v1 =	vshrl.u32 v2, $0x3;
	s8 =	ssub.s32 s5, s8;
	s4 =	sadd.s32 $0xE00, s7;
	s5 =	sadd.s32 $0x1000, s6  }
0xf: {  	v0 =	vand.u32 $0x7, v2;
	v2 =	vor.u32 $0x8, v2;
	v1 =	vmul.u32 $0x8, v1;
	s6 =	smax.u32 s8, $0x1;
	s7 =	simm.s32 $0x2;
	s8 =	simm.s32 $0x80  }
.LBB2_1:
0x10: {  	[tilespmem:s3], [sflag:$0x2] =	stream.linear.gather [hbm4b:s4+s3], $0x80, $0x38;
	[tilespmem:$0x8080] =	vst v63  }
0x11: {  	_ =	swait.ge [sflag:s7], $0x80  }
0x12: {  	[sflag:s7] =	ssyncset.done $0x0  }
0x13: {  	[sflag:s7] =	ssyncadd.s32 $0xFFFFFF80  }
0x14: {  	v3 =	vld [tilespmem:$0x0];
	_ =	sdelay $0x4  }
0x15: {  	v4 =	vshll.u32 v3, $0x1  }
0x16: {  	v3 =	vand.u32 $0x7, v3;
	v4 =	vand.u32 $0xFFFFFFF0, v4  }
0x17: {  	v3 =	vor.u32 v3, v4  }
0x18: {  	v4 =	vperm.xlane v3, v0;
	_ =	sdelay $0x1  }
0x19: {  	v3 =	vperm.xlane v3, v2;
	v4 =	vadd.s32 v1, v4;
	_ =	sdelay $0x1  }
0x1a: {  	v3 =	vadd.s32 v1, v3;
	_ =	sdelay $0x2  }
0x1b: {  	[tilespmem:s8], [sflag:$0x1] =	stream.indirect_vreg.gather [hbm4b:s1+s3], $0x80, v4, vm0, $0xb8;
	[tilespmem:$0x8080] =	vst v63  }
0x1c: {  	_ = 	snop  }
0x1d: {  	[tilespmem:s9], [sflag:$0x1] =	stream.indirect_vreg.gather [hbm4b:s1+s3], $0x80, v3, vm0, $0xb8;
	[tilespmem:$0x8080] =	vst v63  }
0x1e: {  	v3 =	vld [tilespmem:$0x10];
	_ =	sdelay $0x4  }
0x1f: {  	v57 =	vshll.u32 v3, $0x1  }
0x20: {  	v3 =	vand.u32 $0x7, v3;
	v4 =	vand.u32 $0xFFFFFFF0, v57  }
0x21: {  	v3 =	vor.u32 v3, v4  }
0x22: {  	v4 =	vperm.xlane v3, v0;
	_ =	sdelay $0x1  }
0x23: {  	v3 =	vperm.xlane v3, v2;
	v4 =	vadd.s32 v1, v4;
	_ =	sdelay $0x1  }
0x24: {  	v3 =	vadd.s32 v1, v3;
	_ =	sdelay $0x2  }
0x25: {  	[tilespmem:s10], [sflag:$0x1] =	stream.indirect_vreg.gather [hbm4b:s1+s3], $0x80, v4, vm0, $0xb8;
	[tilespmem:$0x8080] =	vst v63  }
0x26: {  	_ = 	snop  }
0x27: {  	[tilespmem:s11], [sflag:$0x1] =	stream.indirect_vreg.gather [hbm4b:s1+s3], $0x80, v3, vm0, $0xb8;
	[tilespmem:$0x8080] =	vst v63  }
0x28: {  	v3 =	vld [tilespmem:$0x20];
	_ =	sdelay $0x4  }
0x29: {  	v58 =	vshll.u32 v3, $0x1  }
0x2a: {  	v3 =	vand.u32 $0x7, v3;
	v4 =	vand.u32 $0xFFFFFFF0, v58  }
0x2b: {  	v3 =	vor.u32 v3, v4  }
0x2c: {  	v4 =	vperm.xlane v3, v0;
	_ =	sdelay $0x1  }
0x2d: {  	v3 =	vperm.xlane v3, v2;
	v4 =	vadd.s32 v1, v4;
	_ =	sdelay $0x1  }
0x2e: {  	v3 =	vadd.s32 v1, v3;
	_ =	sdelay $0x2  }
0x2f: {  	[tilespmem:s12], [sflag:$0x1] =	stream.indirect_vreg.gather [hbm4b:s1+s3], $0x80, v4, vm0, $0xb8;
	[tilespmem:$0x8080] =	vst v63  }
0x30: {  	_ = 	snop  }
0x31: {  	[tilespmem:s13], [sflag:$0x1] =	stream.indirect_vreg.gather [hbm4b:s1+s3], $0x80, v3, vm0, $0xb8;
	[tilespmem:$0x8080] =	vst v63  }
0x32: {  	v3 =	vld [tilespmem:$0x30];
	_ =	sdelay $0x4  }
0x33: {  	v59 =	vshll.u32 v3, $0x1  }
0x34: {  	v3 =	vand.u32 $0x7, v3;
	v4 =	vand.u32 $0xFFFFFFF0, v59  }
0x35: {  	v3 =	vor.u32 v3, v4  }
0x36: {  	v4 =	vperm.xlane v3, v0;
	_ =	sdelay $0x1  }
0x37: {  	v3 =	vperm.xlane v3, v2;
	v4 =	vadd.s32 v1, v4;
	_ =	sdelay $0x1  }
0x38: {  	v3 =	vadd.s32 v1, v3;
	_ =	sdelay $0x2  }
0x39: {  	[tilespmem:s14], [sflag:$0x1] =	stream.indirect_vreg.gather [hbm4b:s1+s3], $0x80, v4, vm0, $0xb8;
	[tilespmem:$0x8080] =	vst v63  }
0x3a: {  	_ = 	snop  }
0x3b: {  	[tilespmem:s15], [sflag:$0x1] =	stream.indirect_vreg.gather [hbm4b:s1+s3], $0x80, v3, vm0, $0xb8;
	[tilespmem:$0x8080] =	vst v63  }
0x3c: {  	v3 =	vld [tilespmem:$0x40];
	_ =	sdelay $0x4  }
0x3d: {  	v60 =	vshll.u32 v3, $0x1  }
0x3e: {  	v3 =	vand.u32 $0x7, v3;
	v4 =	vand.u32 $0xFFFFFFF0, v60  }
0x3f: {  	v3 =	vor.u32 v3, v4  }
0x40: {  	v4 =	vperm.xlane v3, v0;
	_ =	sdelay $0x1  }
0x41: {  	v3 =	vperm.xlane v3, v2;
	v4 =	vadd.s32 v1, v4;
	_ =	sdelay $0x1  }
0x42: {  	v3 =	vadd.s32 v1, v3;
	_ =	sdelay $0x2  }
0x43: {  	[tilespmem:s16], [sflag:$0x1] =	stream.indirect_vreg.gather [hbm4b:s1+s3], $0x80, v4, vm0, $0xb8;
	[tilespmem:$0x8080] =	vst v63  }
0x44: {  	_ = 	snop  }
0x45: {  	[tilespmem:s17], [sflag:$0x1] =	stream.indirect_vreg.gather [hbm4b:s1+s3], $0x80, v3, vm0, $0xb8;
	[tilespmem:$0x8080] =	vst v63  }
0x46: {  	v3 =	vld [tilespmem:$0x50];
	_ =	sdelay $0x4  }
0x47: {  	v61 =	vshll.u32 v3, $0x1  }
0x48: {  	v3 =	vand.u32 $0x7, v3;
	v4 =	vand.u32 $0xFFFFFFF0, v61  }
0x49: {  	v3 =	vor.u32 v3, v4  }
0x4a: {  	v4 =	vperm.xlane v3, v0;
	_ =	sdelay $0x1  }
0x4b: {  	v3 =	vperm.xlane v3, v2;
	v4 =	vadd.s32 v1, v4;
	_ =	sdelay $0x1  }
0x4c: {  	v3 =	vadd.s32 v1, v3;
	_ =	sdelay $0x2  }
0x4d: {  	[tilespmem:s18], [sflag:$0x1] =	stream.indirect_vreg.gather [hbm4b:s1+s3], $0x80, v4, vm0, $0xb8;
	[tilespmem:$0x8080] =	vst v63  }
0x4e: {  	_ = 	snop  }
0x4f: {  	[tilespmem:s19], [sflag:$0x1] =	stream.indirect_vreg.gather [hbm4b:s1+s3], $0x80, v3, vm0, $0xb8;
	[tilespmem:$0x8080] =	vst v63  }
0x50: {  	v3 =	vld [tilespmem:$0x60];
	_ =	sdelay $0x4  }
0x51: {  	v62 =	vshll.u32 v3, $0x1  }
0x52: {  	v3 =	vand.u32 $0x7, v3;
	v4 =	vand.u32 $0xFFFFFFF0, v62  }
0x53: {  	v3 =	vor.u32 v3, v4  }
0x54: {  	v4 =	vperm.xlane v3, v0;
	_ =	sdelay $0x1  }
0x55: {  	v3 =	vperm.xlane v3, v2;
	v4 =	vadd.s32 v1, v4;
	_ =	sdelay $0x1  }
0x56: {  	v3 =	vadd.s32 v1, v3;
	_ =	sdelay $0x2  }
0x57: {  	[tilespmem:s20], [sflag:$0x1] =	stream.indirect_vreg.gather [hbm4b:s1+s3], $0x80, v4, vm0, $0xb8;
	[tilespmem:$0x8080] =	vst v63  }
0x58: {  	_ = 	snop  }
0x59: {  	[tilespmem:s21], [sflag:$0x1] =	stream.indirect_vreg.gather [hbm4b:s1+s3], $0x80, v3, vm0, $0xb8;
	[tilespmem:$0x8080] =	vst v63  }
0x5a: {  	v3 =	vld [tilespmem:$0x70];
	_ =	sdelay $0x4  }
0x5b: {  	v63 =	vshll.u32 v3, $0x1  }
0x5c: {  	v3 =	vand.u32 $0x7, v3;
	v4 =	vand.u32 $0xFFFFFFF0, v63  }
0x5d: {  	v3 =	vor.u32 v3, v4  }
0x5e: {  	v4 =	vperm.xlane v3, v0;
	_ =	sdelay $0x1  }
0x5f: {  	v3 =	vperm.xlane v3, v2;
	v4 =	vadd.s32 v1, v4;
	_ =	sdelay $0x1  }
0x60: {  	v3 =	vadd.s32 v1, v3;
	_ =	sdelay $0x2  }
0x61: {  	[tilespmem:s22], [sflag:$0x1] =	stream.indirect_vreg.gather [hbm4b:s1+s3], $0x80, v4, vm0, $0xb8;
	[tilespmem:$0x8080] =	vst v63  }
0x62: {  	_ = 	snop  }
0x63: {  	[tilespmem:s23], [sflag:$0x1] =	stream.indirect_vreg.gather [hbm4b:s1+s3], $0x80, v3, vm0, $0xb8;
	[tilespmem:$0x8080] =	vst v63  }
0x64: {  	_ =	swait.ge [sflag:s24], $0x8000  }
0x65: {  	p0 =	sne.s32 s6, $0x1;
	[sflag:s24] =	ssyncset.done $0x0  }
.Ltmp0:
0x66: {  	[sflag:s24] =	ssyncadd.s32 $0xFFFF8000;
	(pc) =	sbr.rel @p0 .LBB2_1-.Ltmp0, $4  }
0x67: {  	[hbm4b:s5+s3] =	stream.linear.scatter [tilespmem:s8], [sflag:$0x2], $0x8000, $0x38;
	[tilespmem:$0x8080] =	vst v63  }
0x68: {  	_ =	swait.ge [sflag:s7], $0x8000  }
0x69: {  	[sflag:s7] =	ssyncset.done $0x0  }
0x6a: {  	s6 =	sadd.s32 $0xFFFFFFFF, s6;
	[sflag:s7] =	ssyncadd.s32 $0xFFFF8000  }
0x6b: {  	_ =	sfence.sel $0x180000  }
0x6c: {  	[bflag:$0x0] =	sbarrier.arrive $0xFFFF  }
0x6d: {  	p0 =	sne.s32 s2, $0x0;
	_ =	strace $0x90000047  }
0x6e: {  	s0 =	sadd.s32 @!p0 $0x100000, s0;
	[bflag:$0x2] =	sbarrier.arrive $0xFFFF  }
0x6f: {  	[sflag:s0] =	ssyncadd.tile.s32 @!p0 $0x1;
	_ =	shalt  }
.Lfunc_end2:
_tile_overlayer_lowered:
.L_overlay_start_2:
0x70: {  	(tag) =	ssettag $0x2  }
0x71: {  	s0 =	rddreg [dreg:$0x0];
	s2 =	stileid.u32  }
0x72: {  	s1 =	rddreg [dreg:$0x1];
	p0 =	sne.s32 s2, $0x0  }
0x73: {  	s3 =	rddreg [dreg:$0x2];
	[bflag:$0x3] =	sbarrier.arrive $0xFFFF;
	s2 =	simm.s32 @!p0 $0x1C02  }
0x74: {  	[timem:s3], [sflag:s2] =	dma.local @!p0 [hbm:s0], s1  }
0x75: {  	s0 =	simm.s32 @!p0 $0x2  }
0x76: {  	_ =	swait.ge @!p0 [sflag:s0], s1  }
0x77: {  	s1 =	ssub.s32 @!p0 $0x0, s1;
	[sflag:s0] =	ssyncset.done @!p0 $0x0  }
0x78: {  	[sflag:s0] =	ssyncadd.s32 @!p0 s1  }
0x79: {  	[bflag:$0x3] =	sbarrier.arrive $0xFFFF  }
0x7a: {  	_ =	shalt  }

</sc_bundles>
